<compile_context>
chip_gen: v7x
topology: tpu7x:2x2x1
jax: 0.10.2.dev20260603
libtpu: 0.0.44.dev20260713+nightly
codegen_flags: <defaults>
</compile_context>

<pallas_src>
import functools

import jax
import jax.numpy as jnp
from jax import lax
from jax.experimental import pallas as pl
from jax.experimental.pallas import tpu as pltpu
from jax.experimental.pallas import tpu_sc as plsc

QN = 256
EPS = 1e-8
K_ROWS = 100000
D = 1024
BLK = 2000
NB = K_ROWS // BLK
PADW = 2048
PAD_VAL = -2.0

SC_CORES = 2
SC_SUBCORES = 16
SC_WORKERS = SC_CORES * SC_SUBCORES
ROWS_PER_WORKER = QN // SC_WORKERS


def _score_kernel(img_ref, blk_ref, nrm_ref, out_ref):
    img_n = img_ref[...].astype(jnp.bfloat16)
    blk = blk_ref[...]
    txt_n = (blk / nrm_ref[...]).astype(jnp.bfloat16)
    dots = lax.dot_general(img_n, txt_n, (((1,), (1,)), ((), ())),
                           preferred_element_type=jnp.float32)
    scores = jnp.sum(dots, axis=0, keepdims=True) * (1.0 / 32.0)
    pad = jnp.full((1, PADW - BLK), PAD_VAL, jnp.float32)
    out_ref[...] = jnp.concatenate([scores, pad], axis=1).reshape(1, 1, PADW)


def _topk_kernel(s_in_ref, idx_ref, s_ref):
    s_ref[...] = s_in_ref[...]
    rowmax = jnp.max(s_in_ref[...], axis=1, keepdims=True)
    rowiota = lax.broadcasted_iota(jnp.int32, (NB, 1), 0)
    coliota = lax.broadcasted_iota(jnp.int32, (1, PADW), 1)
    idx_ref[...] = jnp.zeros((QN,), jnp.int32)
    out_iota = lax.iota(jnp.int32, QN)

    def body(t, rowmax):
        m = jnp.max(rowmax)
        r = jnp.min(jnp.where(rowmax == m, rowiota, NB))
        srow = s_ref[pl.ds(r, 1), :]
        c = jnp.min(jnp.where(srow == m, coliota, PADW))
        idx_ref[...] = jnp.where(out_iota == t, r * BLK + c, idx_ref[...])
        new_row = jnp.where(coliota == c, PAD_VAL, srow)
        s_ref[pl.ds(r, 1), :] = new_row
        return jnp.where(rowiota == r, jnp.max(new_row), rowmax)

    lax.fori_loop(0, QN, body, rowmax)


def _gather_body(text_hbm, idx_hbm, out_hbm, idx_v, rows_v, sem):
    wid = lax.axis_index("s") * SC_CORES + lax.axis_index("c")
    base = wid * ROWS_PER_WORKER
    pltpu.sync_copy(idx_hbm.at[pl.ds(base, ROWS_PER_WORKER)], idx_v)
    pltpu.async_copy(text_hbm.at[idx_v], rows_v, sem).wait()
    pltpu.sync_copy(rows_v, out_hbm.at[pl.ds(base, ROWS_PER_WORKER)])


def kernel(image_features, text_embedding):
    img_n = image_features / jnp.maximum(
        jnp.linalg.norm(image_features, axis=-1, keepdims=True), EPS)
    txt_norm = jnp.maximum(
        jnp.linalg.norm(text_embedding, axis=-1, keepdims=True), EPS)

    scores = pl.pallas_call(
        _score_kernel,
        grid=(NB,),
        in_specs=[
            pl.BlockSpec((32, D), lambda i: (0, 0)),
            pl.BlockSpec((BLK, D), lambda i: (i, 0)),
            pl.BlockSpec((BLK, 1), lambda i: (i, 0)),
        ],
        out_specs=pl.BlockSpec((1, 1, PADW), lambda i: (i, 0, 0)),
        out_shape=jax.ShapeDtypeStruct((NB, 1, PADW), jnp.float32),
    )(img_n, text_embedding, txt_norm)
    scores = scores.reshape(NB, PADW)

    indices = pl.pallas_call(
        _topk_kernel,
        in_specs=[pl.BlockSpec(memory_space=pltpu.VMEM)],
        out_specs=pl.BlockSpec(memory_space=pltpu.VMEM),
        out_shape=jax.ShapeDtypeStruct((QN,), jnp.int32),
        scratch_shapes=[pltpu.VMEM((NB, PADW), jnp.float32)],
    )(scores)

    gather = functools.partial(
        pl.kernel,
        mesh=plsc.VectorSubcoreMesh(core_axis_name="c", subcore_axis_name="s"),
        out_type=jax.ShapeDtypeStruct((QN, D), jnp.float32),
        scratch_types=[
            pltpu.VMEM((ROWS_PER_WORKER,), jnp.int32),
            pltpu.VMEM((ROWS_PER_WORKER, D), jnp.float32),
            pltpu.SemaphoreType.DMA,
        ],
    )(_gather_body)
    return gather(text_embedding, indices)

# --- scband reference (transcript-rebuilt; emitter-appended) ---
"""Pipeline reference for scband-text-filter-cosine-29695403884955 (READ-ONLY COPY).

The authoritative reference and input builder live on the scoring server;
editing this copy changes nothing except your own understanding.
"""

import jax, jax.numpy as jnp
import numpy as np

TEXT_QUERIES_NUM = 256
EPS = 1e-8


def setup_inputs(seed: int = 0) -> dict:
    key = jax.random.key(seed)
    k1, k2 = jax.random.split(key)
    image_features = jax.random.normal(k1, (32, 1024), dtype=jnp.float32)
    text_embedding = jax.random.normal(k2, (100000, 1024), dtype=jnp.float32)
    return {"image_features": image_features, "text_embedding": text_embedding}


def reference(image_features, text_embedding):
    # F.cosine_similarity(image.unsqueeze(1), text.unsqueeze(0), dim=-1)
    # == normalized dot product matrix [Q, K] (norms clamped at eps like torch)
    img_norm = jnp.maximum(jnp.linalg.norm(image_features, axis=-1, keepdims=True), EPS)
    txt_norm = jnp.maximum(jnp.linalg.norm(text_embedding, axis=-1, keepdims=True), EPS)
    img_n = image_features / img_norm
    txt_n = text_embedding / txt_norm
    similarity_matrix = img_n @ txt_n.T            # [Q, K]
    similarity_matrix = similarity_matrix.mean(axis=0)  # [K]  (attn_mask is None path)
    # torch.sort(descending=True)[:text_queries_num] == top_k
    _, selected_indices = jax.lax.top_k(similarity_matrix, TEXT_QUERIES_NUM)
    new_text_embedding = jnp.zeros((TEXT_QUERIES_NUM, text_embedding.shape[-1]), dtype=text_embedding.dtype)
    new_text_embedding = new_text_embedding.at[:TEXT_QUERIES_NUM].set(jnp.take(text_embedding, selected_indices, axis=0))
    return new_text_embedding

if __name__ == "__main__":
    import jax
    _d = setup_inputs()
    print(jax.jit(kernel)(*tuple(_d.values())))

</pallas_src>

<mosaic_0001>
#map = affine_map<(d0, d1) -> (0, 0)>
#map1 = affine_map<(d0, d1) -> (0)>
module attributes {stable_mosaic.version = 14 : i64} {
  func.func @_gather_body(%arg0: i32, %arg1: i32, %arg2: memref<100000x1024xf32, #tpu.memory_space<hbm>>, %arg3: memref<256xi32, #tpu.memory_space<hbm>>, %arg4: memref<256x1024xf32, #tpu.memory_space<hbm>>, %arg5: memref<8xi32, #tpu.memory_space<vmem>>, %arg6: memref<8x1024xf32, #tpu.memory_space<vmem>>, %arg7: memref<!tpu.dma_semaphore, #tpu.memory_space<semaphore_mem>>) attributes {dimension_semantics = [#tpu.dimension_semantics<core_parallel>, #tpu.dimension_semantics<subcore_parallel>], iteration_bounds = array<i64: 2, 16>, scalar_prefetch = 0 : i64, scratch_operands = 3 : i64, tpu.core_type = #tpu.core_type<sc_vector_subcore>, window_params = [{transform_indices = #map}, {transform_indices = #map1}, {transform_indices = #map}]} {
    %mul3A = arith.constant 2 : i32
    %mul3A_0 = arith.muli %arg1, %mul3A : i32
    %add3A = arith.addi %mul3A_0, %arg0 : i32
    %mul3A_1 = arith.constant 8 : i32
    %mul3A_2 = arith.muli %add3A, %mul3A_1 : i32
    "tpu.region"() ({
      %run_scoped3A = tpu.sem_alloc : memref<!tpu.dma_semaphore, #tpu.memory_space<semaphore_mem>>
      %dma_start3A_7 = tpu.memref_slice %arg3[%mul3A_2] : memref<256xi32, #tpu.memory_space<hbm>> -> memref<8xi32, #tpu.memory_space<hbm>>
      %dma_start3A_8 = tpu.memref_slice %arg3[%mul3A_2] : memref<256xi32, #tpu.memory_space<hbm>> -> memref<8xi32, #tpu.memory_space<hbm>>
      tpu.enqueue_dma source(%dma_start3A_8 : memref<8xi32, #tpu.memory_space<hbm>>) target(%arg5 : memref<8xi32, #tpu.memory_space<vmem>>) target_semaphore(%run_scoped3A : memref<!tpu.dma_semaphore, #tpu.memory_space<semaphore_mem>>)
      %dma_wait3A_9 = tpu.memref_slice %arg3[%mul3A_2] : memref<256xi32, #tpu.memory_space<hbm>> -> memref<8xi32, #tpu.memory_space<hbm>>
      %dma_wait3A_10 = tpu.memref_slice %arg3[%mul3A_2] : memref<256xi32, #tpu.memory_space<hbm>> -> memref<8xi32, #tpu.memory_space<hbm>>
      tpu.wait_dma2 semaphore(%run_scoped3A : memref<!tpu.dma_semaphore, #tpu.memory_space<semaphore_mem>>) src(%dma_wait3A_10 : memref<8xi32, #tpu.memory_space<hbm>>) dst(%arg5 : memref<8xi32, #tpu.memory_space<vmem>>)
      tpu.yield
    }) : () -> ()
    %dma_start3A = arith.constant 0 : i32
    %dma_start3A_3 = arith.constant 0 : i32
    %dma_start3A_4 = tpu.memref_slice %arg2[%dma_start3A, %dma_start3A_3] : memref<100000x1024xf32, #tpu.memory_space<hbm>> -> memref<100000x1024xf32, #tpu.memory_space<hbm>>
    tpu.enqueue_indirect_dma source(%dma_start3A_4 : memref<100000x1024xf32, #tpu.memory_space<hbm>>) target(%arg6 : memref<8x1024xf32, #tpu.memory_space<vmem>>) offsets(%arg5 : memref<8xi32, #tpu.memory_space<vmem>>) semaphore(%arg7 : memref<!tpu.dma_semaphore, #tpu.memory_space<semaphore_mem>>)
    %dma_wait3A = arith.constant 0 : i32
    %dma_wait3A_5 = arith.constant 0 : i32
    %dma_wait3A_6 = tpu.memref_slice %arg2[%dma_wait3A, %dma_wait3A_5] : memref<100000x1024xf32, #tpu.memory_space<hbm>> -> memref<100000x1024xf32, #tpu.memory_space<hbm>>
    tpu.wait_indirect_dma semaphore(%arg7 : memref<!tpu.dma_semaphore, #tpu.memory_space<semaphore_mem>>) src(%dma_wait3A_6 : memref<100000x1024xf32, #tpu.memory_space<hbm>>) dst(%arg6 : memref<8x1024xf32, #tpu.memory_space<vmem>>)
    "tpu.region"() ({
      %run_scoped3A = tpu.sem_alloc : memref<!tpu.dma_semaphore, #tpu.memory_space<semaphore_mem>>
      %dma_start3A_7 = arith.constant 0 : i32
      %dma_start3A_8 = tpu.memref_slice %arg4[%mul3A_2, %dma_start3A_7] : memref<256x1024xf32, #tpu.memory_space<hbm>> -> memref<8x1024xf32, #tpu.memory_space<hbm>>
      %dma_start3A_9 = arith.constant 0 : i32
      %dma_start3A_10 = tpu.memref_slice %arg4[%mul3A_2, %dma_start3A_9] : memref<256x1024xf32, #tpu.memory_space<hbm>> -> memref<8x1024xf32, #tpu.memory_space<hbm>>
      tpu.enqueue_dma source(%arg6 : memref<8x1024xf32, #tpu.memory_space<vmem>>) target(%dma_start3A_10 : memref<8x1024xf32, #tpu.memory_space<hbm>>) target_semaphore(%run_scoped3A : memref<!tpu.dma_semaphore, #tpu.memory_space<semaphore_mem>>)
      %dma_wait3A_11 = arith.constant 0 : i32
      %dma_wait3A_12 = tpu.memref_slice %arg4[%mul3A_2, %dma_wait3A_11] : memref<256x1024xf32, #tpu.memory_space<hbm>> -> memref<8x1024xf32, #tpu.memory_space<hbm>>
      %dma_wait3A_13 = arith.constant 0 : i32
      %dma_wait3A_14 = tpu.memref_slice %arg4[%mul3A_2, %dma_wait3A_13] : memref<256x1024xf32, #tpu.memory_space<hbm>> -> memref<8x1024xf32, #tpu.memory_space<hbm>>
      tpu.wait_dma2 semaphore(%run_scoped3A : memref<!tpu.dma_semaphore, #tpu.memory_space<semaphore_mem>>) src(%arg6 : memref<8x1024xf32, #tpu.memory_space<vmem>>) dst(%dma_wait3A_14 : memref<8x1024xf32, #tpu.memory_space<hbm>>)
      tpu.yield
    }) : () -> ()
    return
  }
}

module attributes {stable_mosaic.version = 14 : i64} {
  func.func @_score_kernel(%arg0: i32, %arg1: memref<32x1024xf32, #tpu.memory_space<vmem>>, %arg2: memref<2000x1024xf32, #tpu.memory_space<vmem>>, %arg3: memref<2000x1xf32, #tpu.memory_space<vmem>>, %arg4: memref<1x1x2048xf32, #tpu.memory_space<vmem>>) attributes {dimension_semantics = [#tpu.dimension_semantics<arbitrary>], iteration_bounds = array<i64: 50>, scalar_prefetch = 0 : i64, scratch_operands = 0 : i64, tpu.core_type = #tpu.core_type<tc>, window_params = [{pipeline_mode = #tpu.pipeline_mode<synchronous>, transform_indices = @transform_0, window_bounds = array<i64: 32, 1024>}, {transform_indices = @transform_1, window_bounds = array<i64: 2000, 1024>}, {transform_indices = @transform_2, window_bounds = array<i64: 2000, 1>}, {transform_indices = @transform_3, window_bounds = array<i64: 1, 1, 2048>}]} {
    %get3A = arith.constant 0 : index
    %get3A_0 = arith.constant 0 : index
    %get3A_1 = vector.load %arg1[%get3A, %get3A_0] : memref<32x1024xf32, #tpu.memory_space<vmem>>, vector<32x1024xf32>
    %convert_element_type3A = arith.truncf %get3A_1 : vector<32x1024xf32> to vector<32x1024xbf16>
    %get3A_2 = arith.constant 0 : index
    %get3A_3 = arith.constant 0 : index
    %get3A_4 = vector.load %arg2[%get3A_2, %get3A_3] : memref<2000x1024xf32, #tpu.memory_space<vmem>>, vector<2000x1024xf32>
    %get3A_5 = arith.constant 0 : index
    %get3A_6 = arith.constant 0 : index
    %get3A_7 = vector.load %arg3[%get3A_5, %get3A_6] : memref<2000x1xf32, #tpu.memory_space<vmem>>, vector<2000x1xf32>
    %div3A = vector.broadcast %get3A_7 : vector<2000x1xf32> to vector<2000x1024xf32>
    %div3A_8 = arith.divf %get3A_4, %div3A : vector<2000x1024xf32>
    %convert_element_type3A_9 = arith.truncf %div3A_8 : vector<2000x1024xf32> to vector<2000x1024xbf16>
    %dot_general3A = arith.constant dense<0.000000e+00> : vector<32x2000xf32>
    %dot_general3A_10 = tpu.matmul %convert_element_type3A, %convert_element_type3A_9, %dot_general3A {dimension_numbers = #tpu.dot_dimension_numbers<[1], [1], [0], [0], [0, 0, 1, 0], [], []>, transpose_lhs_hint = false} : vector<32x1024xbf16>, vector<2000x1024xbf16>, vector<32x2000xf32> -> vector<32x2000xf32>
    %reduce_sum3A = arith.constant dense<0.000000e+00> : vector<2000xf32>
    %reduce_sum3A_11 = vector.multi_reduction <add>, %dot_general3A_10, %reduce_sum3A [0] : vector<32x2000xf32> to vector<2000xf32>
    %broadcast_in_dim3A = vector.shape_cast %reduce_sum3A_11 : vector<2000xf32> to vector<1x2000xf32>
    %mul3A = arith.constant 3.125000e-02 : f32
    %mul3A_12 = vector.broadcast %mul3A : f32 to vector<1x2000xf32>
    %mul3A_13 = arith.mulf %broadcast_in_dim3A, %mul3A_12 : vector<1x2000xf32>
    %broadcast_in_dim3A_14 = arith.constant -2.000000e+00 : f32
    %broadcast_in_dim3A_15 = vector.broadcast %broadcast_in_dim3A_14 : f32 to vector<1x48xf32>
    %concatenate3A = tpu.concatenate %mul3A_13, %broadcast_in_dim3A_15 in 1 : vector<1x2000xf32>, vector<1x48xf32> -> vector<1x2048xf32>
    %reshape3A = vector.shape_cast %concatenate3A : vector<1x2048xf32> to vector<1x1x2048xf32>
    %swap3A = arith.constant 0 : index
    %swap3A_16 = arith.constant 0 : index
    %swap3A_17 = arith.constant 0 : index
    %swap3A_18 = vector.load %arg4[%swap3A, %swap3A_16, %swap3A_17] : memref<1x1x2048xf32, #tpu.memory_space<vmem>>, vector<1x1x2048xf32>
    tpu.vector_store %arg4[%swap3A, %swap3A_16, %swap3A_17], %reshape3A {strides = array<i32>} : memref<1x1x2048xf32, #tpu.memory_space<vmem>>, vector<1x1x2048xf32>,
    return
  }
  func.func @transform_0(%arg0: i32) -> (i32, i32) {
    %c0_i32 = arith.constant 0 : i32
    %c0_i32_0 = arith.constant 0 : i32
    %c0_i32_1 = arith.constant 0 : i32
    return %c0_i32, %c0_i32_0 : i32, i32
  }
  func.func @transform_1(%arg0: i32) -> (i32, i32) {
    %c0_i32 = arith.constant 0 : i32
    %c0_i32_0 = arith.constant 0 : i32
    return %arg0, %c0_i32 : i32, i32
  }
  func.func @transform_2(%arg0: i32) -> (i32, i32) {
    %c0_i32 = arith.constant 0 : i32
    %c0_i32_0 = arith.constant 0 : i32
    return %arg0, %c0_i32 : i32, i32
  }
  func.func @transform_3(%arg0: i32) -> (i32, i32, i32) {
    %c0_i32 = arith.constant 0 : i32
    %c0_i32_0 = arith.constant 0 : i32
    %c0_i32_1 = arith.constant 0 : i32
    return %arg0, %c0_i32, %c0_i32_0 : i32, i32, i32
  }
}

module attributes {stable_mosaic.version = 14 : i64} {
  func.func @_topk_kernel(%arg0: memref<50x2048xf32, #tpu.memory_space<vmem>>, %arg1: memref<256xi32, #tpu.memory_space<vmem>>, %arg2: memref<50x2048xf32, #tpu.memory_space<vmem>>) attributes {dimension_semantics = [], scalar_prefetch = 0 : i64, scratch_operands = 1 : i64, tpu.core_type = #tpu.core_type<tc>} {
    %get3A = arith.constant 0 : index
    %get3A_0 = arith.constant 0 : index
    %get3A_1 = vector.load %arg0[%get3A, %get3A_0] : memref<50x2048xf32, #tpu.memory_space<vmem>>, vector<50x2048xf32>
    %swap3A = arith.constant 0 : index
    %swap3A_2 = arith.constant 0 : index
    %swap3A_3 = vector.load %arg2[%swap3A, %swap3A_2] : memref<50x2048xf32, #tpu.memory_space<vmem>>, vector<50x2048xf32>
    tpu.vector_store %arg2[%swap3A, %swap3A_2], %get3A_1 {strides = array<i32>} : memref<50x2048xf32, #tpu.memory_space<vmem>>, vector<50x2048xf32>,
    %get3A_4 = arith.constant 0 : index
    %get3A_5 = arith.constant 0 : index
    %get3A_6 = vector.load %arg0[%get3A_4, %get3A_5] : memref<50x2048xf32, #tpu.memory_space<vmem>>, vector<50x2048xf32>
    %reduce_max3A = arith.constant dense<0xFF800000> : vector<50xf32>
    %reduce_max3A_7 = vector.multi_reduction <maximumf>, %get3A_6, %reduce_max3A [1] : vector<50x2048xf32> to vector<50xf32>
    %broadcast_in_dim3A = vector.shape_cast %reduce_max3A_7 : vector<50xf32> to vector<50x1xf32>
    %iota3A = tpu.iota {dimensions = array<i32: 0>} : vector<50x1xi32>
    %iota3A_8 = tpu.iota {dimensions = array<i32: 1>} : vector<1x2048xi32>
    %broadcast_in_dim3A_9 = arith.constant 0 : i32
    %broadcast_in_dim3A_10 = vector.broadcast %broadcast_in_dim3A_9 : i32 to vector<256xi32>
    %swap3A_11 = arith.constant 0 : index
    %swap3A_12 = vector.load %arg1[%swap3A_11] : memref<256xi32, #tpu.memory_space<vmem>>, vector<256xi32>
    tpu.vector_store %arg1[%swap3A_11], %broadcast_in_dim3A_10 {strides = array<i32>} : memref<256xi32, #tpu.memory_space<vmem>>, vector<256xi32>,
    %iota3A_13 = tpu.iota {dimensions = array<i32: 1>} : vector<1x256xi32>
    %iota3A_14 = vector.shape_cast %iota3A_13 : vector<1x256xi32> to vector<256xi32>
    %scan3A = arith.constant 0 : i32
    %scan3A_15 = arith.constant 256 : i32
    %scan3A_16 = arith.addi %scan3A, %scan3A_15 : i32
    %scan3A_17 = arith.constant 1 : i32
    %scan3A_18 = scf.for %scan3A_20 = %scan3A to %scan3A_16 step %scan3A_17 iter_args(%scan3A_21 = %broadcast_in_dim3A) -> (vector<50x1xf32>)  : i32 {
      %reduce_max3A_22 = vector.shape_cast %scan3A_21 : vector<50x1xf32> to vector<1x50x1xf32>
      %reduce_max3A_23 = arith.constant dense<0xFF800000> : vector<1xf32>
      %reduce_max3A_24 = vector.multi_reduction <maximumf>, %reduce_max3A_22, %reduce_max3A_23 [1, 2] : vector<1x50x1xf32> to vector<1xf32>
      %reduce_max3A_25 = vector.shape_cast %reduce_max3A_24 : vector<1xf32> to vector<1x1x1xf32>
      %reduce_max3A_26 = vector.extract %reduce_max3A_25[0, 0, 0] : f32 from vector<1x1x1xf32>
      %eq3A = vector.broadcast %reduce_max3A_26 : f32 to vector<50x1xf32>
      %eq3A_27 = arith.cmpf oeq, %scan3A_21, %eq3A : vector<50x1xf32>
      %jit3A = arith.constant 50 : i32
      %broadcast_in_dim3A_28 = vector.broadcast %jit3A : i32 to vector<50x1xi32>
      %select_n3A = arith.select %eq3A_27, %iota3A, %broadcast_in_dim3A_28 : vector<50x1xi1>, vector<50x1xi32>
      %reduce_min3A = vector.shape_cast %select_n3A : vector<50x1xi32> to vector<1x50x1xi32>
      %reduce_min3A_29 = arith.constant dense<2147483647> : vector<1xi32>
      %reduce_min3A_30 = vector.multi_reduction <minsi>, %reduce_min3A, %reduce_min3A_29 [1, 2] : vector<1x50x1xi32> to vector<1xi32>
      %reduce_min3A_31 = vector.shape_cast %reduce_min3A_30 : vector<1xi32> to vector<1x1x1xi32>
      %reduce_min3A_32 = vector.extract %reduce_min3A_31[0, 0, 0] : i32 from vector<1x1x1xi32>
      %get3A_33 = arith.index_cast %reduce_min3A_32 : i32 to index
      %get3A_34 = arith.constant 0 : index
      %get3A_35 = vector.load %arg2[%get3A_33, %get3A_34] : memref<50x2048xf32, #tpu.memory_space<vmem>>, vector<1x2048xf32>
      %eq3A_36 = vector.broadcast %reduce_max3A_26 : f32 to vector<1x2048xf32>
      %eq3A_37 = arith.cmpf oeq, %get3A_35, %eq3A_36 : vector<1x2048xf32>
      %jit3A_38 = arith.constant 2048 : i32
      %broadcast_in_dim3A_39 = vector.broadcast %jit3A_38 : i32 to vector<1x2048xi32>
      %select_n3A_40 = arith.select %eq3A_37, %iota3A_8, %broadcast_in_dim3A_39 : vector<1x2048xi1>, vector<1x2048xi32>
      %reduce_min3A_41 = vector.shape_cast %select_n3A_40 : vector<1x2048xi32> to vector<1x1x2048xi32>
      %reduce_min3A_42 = arith.constant dense<2147483647> : vector<1xi32>
      %reduce_min3A_43 = vector.multi_reduction <minsi>, %reduce_min3A_41, %reduce_min3A_42 [1, 2] : vector<1x1x2048xi32> to vector<1xi32>
      %reduce_min3A_44 = vector.shape_cast %reduce_min3A_43 : vector<1xi32> to vector<1x1x1xi32>
      %reduce_min3A_45 = vector.extract %reduce_min3A_44[0, 0, 0] : i32 from vector<1x1x1xi32>
      %eq3A_46 = vector.broadcast %scan3A_20 : i32 to vector<256xi32>
      %eq3A_47 = arith.cmpi eq, %iota3A_14, %eq3A_46 : vector<256xi32>
      %mul3A = arith.constant 2000 : i32
      %mul3A_48 = arith.muli %reduce_min3A_32, %mul3A : i32
      %add3A = arith.addi %mul3A_48, %reduce_min3A_45 : i32
      %get3A_49 = arith.constant 0 : index
      %get3A_50 = vector.load %arg1[%get3A_49] : memref<256xi32, #tpu.memory_space<vmem>>, vector<256xi32>
      %broadcast_in_dim3A_51 = vector.broadcast %add3A : i32 to vector<256xi32>
      %select_n3A_52 = arith.select %eq3A_47, %broadcast_in_dim3A_51, %get3A_50 : vector<256xi1>, vector<256xi32>
      %swap3A_53 = arith.constant 0 : index
      %swap3A_54 = vector.load %arg1[%swap3A_53] : memref<256xi32, #tpu.memory_space<vmem>>, vector<256xi32>
      tpu.vector_store %arg1[%swap3A_53], %select_n3A_52 {strides = array<i32>} : memref<256xi32, #tpu.memory_space<vmem>>, vector<256xi32>,
      %eq3A_55 = vector.broadcast %reduce_min3A_45 : i32 to vector<1x2048xi32>
      %eq3A_56 = arith.cmpi eq, %iota3A_8, %eq3A_55 : vector<1x2048xi32>
      %jit3A_57 = arith.constant -2.000000e+00 : f32
      %broadcast_in_dim3A_58 = vector.broadcast %jit3A_57 : f32 to vector<1x2048xf32>
      %select_n3A_59 = arith.select %eq3A_56, %broadcast_in_dim3A_58, %get3A_35 : vector<1x2048xi1>, vector<1x2048xf32>
      %swap3A_60 = arith.index_cast %reduce_min3A_32 : i32 to index
      %swap3A_61 = arith.constant 0 : index
      %swap3A_62 = vector.load %arg2[%swap3A_60, %swap3A_61] : memref<50x2048xf32, #tpu.memory_space<vmem>>, vector<1x2048xf32>
      tpu.vector_store %arg2[%swap3A_60, %swap3A_61], %select_n3A_59 {strides = array<i32>} : memref<50x2048xf32, #tpu.memory_space<vmem>>, vector<1x2048xf32>,
      %eq3A_63 = vector.broadcast %reduce_min3A_32 : i32 to vector<50x1xi32>
      %eq3A_64 = arith.cmpi eq, %iota3A, %eq3A_63 : vector<50x1xi32>
      %reduce_max3A_65 = vector.shape_cast %select_n3A_59 : vector<1x2048xf32> to vector<1x1x2048xf32>
      %reduce_max3A_66 = arith.constant dense<0xFF800000> : vector<1xf32>
      %reduce_max3A_67 = vector.multi_reduction <maximumf>, %reduce_max3A_65, %reduce_max3A_66 [1, 2] : vector<1x1x2048xf32> to vector<1xf32>
      %reduce_max3A_68 = vector.shape_cast %reduce_max3A_67 : vector<1xf32> to vector<1x1x1xf32>
      %reduce_max3A_69 = vector.extract %reduce_max3A_68[0, 0, 0] : f32 from vector<1x1x1xf32>
      %broadcast_in_dim3A_70 = vector.broadcast %reduce_max3A_69 : f32 to vector<50x1xf32>
      %select_n3A_71 = arith.select %eq3A_64, %broadcast_in_dim3A_70, %scan3A_21 : vector<50x1xi1>, vector<50x1xf32>
      scf.yield %select_n3A_71 : vector<50x1xf32>
    }
    %scan3A_19 = arith.constant 256 : i32
    return
  }
}

</mosaic_0001>

<sc_bundles>
// kernel: kernel.5.cloned.1.call-start
scs
__scs_entry_jumppad:
0x0: {  	(pc) =	sbr.rel $0x88, $3  }
0x1: {  	(tag) =	ssettag $0x0;
	lr =	simm.s32 $0x1  }
0x2: {  	[smem:$0x3F9F] =	sst lr;
	_ =	strace $0xD0000000  }
0x3: {  	_ = 	snop  }
0x4: {  	_ = 	snop  }
0x5: {  	_ = 	snop  }
0x6: {  	_ = 	snop  }
0x7: {  	_ = 	snop  }
__scs_overlays_trampoline_lowered:
0x8: {  	[smem:$0x3FAE] =	sst s0  }
0x9: {  	[smem:$0x3FAF] =	sst s1  }
0xa: {  	[smem:$0x3FB0] =	sst s2  }
0xb: {  	[smem:$0x3FB1] =	sst s3  }
0xc: {  	[smem:$0x3FB2] =	sst s4  }
0xd: {  	[smem:$0x3FB3] =	sst s5  }
0xe: {  	[smem:$0x3FB4] =	sst s6  }
0xf: {  	[smem:$0x3FB5] =	sst s7  }
0x10: {  	[smem:$0x3FB6] =	sst s8  }
0x11: {  	[smem:$0x3FB7] =	sst s9;
	s0 =	simm.s32 @!p0 $0x0  }
0x12: {  	s1 =	sld [smem:$0x3F9D];
	s0 =	simm.s32 @p0 $0x1  }
0x13: {  	[smem:$0x3FB8] =	sst s0;
	s0 =	simm.s32 @!p1 $0x0  }
0x14: {  	s2 =	sld [smem:$0x3F9C];
	s0 =	simm.s32 @p1 $0x1  }
0x15: {  	[smem:$0x3FB9] =	sst s0;
	s0 =	simm.s32 @!p2 $0x0  }
0x16: {  	s3 =	sld [smem:$0x3FDB];
	s0 =	simm.s32 @p2 $0x1  }
0x17: {  	s4 =	simm.s32 $0x1BF5;
	[smem:$0x3FBB] =	sst s0  }
0x18: {  	s0 =	sld [smem:$0x3F9E];
	_ =	swait.ge [sflag:s4], $0x0  }
0x19: {  	s7 =	sld [smem:$0x3F9F]  }
0x1a: {  	s8 =	sadd.s32 $0xFFFFE003, lr  }
0x1b: {  	s9 =	sadd.s32 $0xFFFFFEF7, lr;
	s5 =	simm.s32 $0xFFFFFFFF;
	p2 =	slt.u32 s8, $0xFFFFF086  }
0x1c: {  	p1 =	slt.u32 s9, $0xF7A;
	s5 =	simm.s32 @!p2 $0x0  }
0x1d: {  	s5 =	simm.s32 @p1 $0x1;
	p0 =	seq.s32 s7, s2  }
0x1e: {  	s7 =	smul.u32 @!p0 $0xF7A, s2;
	p2 =	seq.s32 @!p0 s5, $0x0  }
0x1f: {  	s9 =	smul.u32 $0xF7A, s1;
	s8 =	simm.s32 @!p0 $0x1BF5;
	p2 =	por !p2, p0  }
0x20: {  	[sflag:s8] =	ssyncset.s32 @!p0 $0xFFFFF086;
	s6 =	sadd.s32 @!p0 s3, s7;
	s7 =	simm.s32 @!p0 $0x108  }
0x21: {  	s3 =	sadd.s32 s3, s9;
	s6 =	sadd.s32 @!p0 $0x88, s6;
	s7 =	simm.s32 @p2 $0x1082  }
0x22: {  	[simem:s7], [sflag:s8] =	dma.local @!p0 [hbm:s6], $0xF7A  }
0x23: {  	s9 =	sor.u32 $0xD0000000, s2;
	s6 =	simm.s32 $0x108;
	_ =	swait.ge @!p0 [sflag:s8], $0x0  }
0x24: {  	s3 =	sadd.s32 $0x88, s3;
	s6 =	simm.s32 @!p1 $0x1082;
	[sflag:s4] =	ssyncset.s32 $0xFFFFF086  }
0x25: {  	[simem:s6], [sflag:s4] =	dma.local [hbm:s3], $0xF7A  }
0x26: {  	[smem:$0x3F9F] =	sst s1;
	(tag) =	ssettag s2;
	_ =	strace s9  }
0x27: {  	s1 =	sld [smem:$0x3FAF]  }
0x28: {  	s2 =	sld [smem:$0x3FB0]  }
0x29: {  	s4 =	sld [smem:$0x3FB2]  }
0x2a: {  	p0 =	seq.s32 s5, $0x0;
	s5 =	sld [smem:$0x3FB3]  }
0x2b: {  	s6 =	sld [smem:$0x3FB4]  }
0x2c: {  	s7 =	sld [smem:$0x3FB5]  }
0x2d: {  	s3 =	simm.s32 $0x108;
	s8 =	sld [smem:$0x3FB6]  }
0x2e: {  	s3 =	simm.s32 @!p0 $0x1082;
	s9 =	sld [smem:$0x3FB7]  }
0x2f: {  	lr =	sadd.s32 s0, s3;
	s0 =	sld [smem:$0x3FAE]  }
0x30: {  	s3 =	sld [smem:$0x3FB1]  }
0x31: {  	[smem:$0x3FBA] =	sst s10  }
0x32: {  	s10 =	sld [smem:$0x3FB8];
	_ =	sdelay $0x3  }
0x33: {  	p0 =	seq.s32 s10, $0x1;
	s10 =	sld [smem:$0x3FBA];
	_ =	sdelay $0x3  }
0x34: {  	[smem:$0x3FBA] =	sst s10  }
0x35: {  	s10 =	sld [smem:$0x3FB9];
	_ =	sdelay $0x3  }
0x36: {  	p1 =	seq.s32 s10, $0x1;
	s10 =	sld [smem:$0x3FBA];
	_ =	sdelay $0x3  }
0x37: {  	[smem:$0x3FBA] =	sst s10  }
0x38: {  	s10 =	sld [smem:$0x3FBB]  }
0x39: {  	_ = 	snop;
	(pc) =	sbr.ind lr, $3  }
0x3a: {  	_ = 	snop  }
0x3b: {  	_ = 	snop  }
0x3c: {  	p2 =	seq.s32 s10, $0x1;
	s10 =	sld [smem:$0x3FBA]  }
0x3d: {  	_ =	shalt  }
0x3e: {  	_ =	shalt  }
0x3f: {  	_ =	shalt  }
0x40: {  	_ =	shalt  }
0x41: {  	_ =	shalt  }
0x42: {  	_ =	shalt  }
0x43: {  	_ =	shalt  }
0x44: {  	_ =	shalt  }
0x45: {  	_ =	shalt  }
0x46: {  	_ =	shalt  }
0x47: {  	_ =	shalt  }
0x48: {  	_ =	shalt  }
0x49: {  	_ =	shalt  }
0x4a: {  	_ =	shalt  }
0x4b: {  	_ =	shalt  }
0x4c: {  	_ =	shalt  }
0x4d: {  	_ =	shalt  }
0x4e: {  	_ =	shalt  }
0x4f: {  	_ =	shalt  }
0x50: {  	_ =	shalt  }
0x51: {  	_ =	shalt  }
0x52: {  	_ =	shalt  }
0x53: {  	_ =	shalt  }
0x54: {  	_ =	shalt  }
0x55: {  	_ =	shalt  }
0x56: {  	_ =	shalt  }
0x57: {  	_ =	shalt  }
0x58: {  	_ =	shalt  }
0x59: {  	_ =	shalt  }
0x5a: {  	_ =	shalt  }
0x5b: {  	_ =	shalt  }
0x5c: {  	_ =	shalt  }
0x5d: {  	_ =	shalt  }
0x5e: {  	_ =	shalt  }
0x5f: {  	_ =	shalt  }
0x60: {  	_ =	shalt  }
0x61: {  	_ =	shalt  }
0x62: {  	_ =	shalt  }
0x63: {  	_ =	shalt  }
0x64: {  	_ =	shalt  }
0x65: {  	_ =	shalt  }
0x66: {  	_ =	shalt  }
0x67: {  	_ =	shalt  }
0x68: {  	_ =	shalt  }
0x69: {  	_ =	shalt  }
0x6a: {  	_ =	shalt  }
0x6b: {  	_ =	shalt  }
0x6c: {  	_ =	shalt  }
0x6d: {  	_ =	shalt  }
0x6e: {  	_ =	shalt  }
0x6f: {  	_ =	shalt  }
0x70: {  	_ =	shalt  }
0x71: {  	_ =	shalt  }
0x72: {  	_ =	shalt  }
0x73: {  	_ =	shalt  }
0x74: {  	_ =	shalt  }
0x75: {  	_ =	shalt  }
0x76: {  	_ =	shalt  }
0x77: {  	_ =	shalt  }
0x78: {  	_ =	shalt  }
0x79: {  	_ =	shalt  }
0x7a: {  	_ =	shalt  }
0x7b: {  	_ =	shalt  }
0x7c: {  	_ =	shalt  }
0x7d: {  	_ =	shalt  }
0x7e: {  	_ =	shalt  }
0x7f: {  	_ =	shalt  }
0x80: {  	_ =	shalt  }
0x81: {  	_ =	shalt  }
0x82: {  	_ =	shalt  }
0x83: {  	_ =	shalt  }
0x84: {  	_ =	shalt  }
0x85: {  	_ =	shalt  }
0x86: {  	_ =	shalt  }
0x87: {  	_ =	shalt  }
.Lfunc_end0:
.L_simem_size_0:
called_computation_lowered:
.L_overlay_start_0:
0x88: {  	s2 =	sld [smem:$0x3FD9]  }
0x89: {  	s3 =	sld [smem:$0x3FFE];
	_ =	sdelay $0x1  }
0x8a: {  	s1 =	srdreg.scid  }
0x8b: {  	s0 =	sand.u32 $0x1, s1  }
0x8c: {  	s17 =	sshll.u32 s0, $0xA;
	s2 =	sadd.s32 s3, s2  }
0x8d: {  	s2 =	sadd.s32 s2, s17  }
0x8e: {  	[smem:$0x3FC6] =	sst s2  }
0x8f: {  	_ = 	snop  }
0x90: {  	s2 =	sld [smem:$0x3FC8]  }
0x91: {  	s18 =	sld [smem:$0x3FD0];
	(tm) =	ssettm $0x1  }
0x92: {  	s4 =	sld [smem:$0x3FFB];
	_ =	sdelay $0x3  }
0x93: {  	_ =	strace s4  }
0x94: {  	s4 =	sld [smem:$0x3FFC];
	_ =	sdelay $0x3  }
0x95: {  	_ =	strace s4  }
0x96: {  	s4 =	sld [smem:$0x3FFD];
	_ =	sdelay $0x3  }
0x97: {  	_ =	strace s4  }
0x98: {  	_ =	strace $0x8FFFFFFF  }
0x99: {  	s19 =	sld [smem:$0x3FDB];
	_ =	sdelay $0x1  }
0x9a: {  	s5 =	simm.s32 $_scs_section_size  }
0x9b: {  	s6 =	simm.s32 $_size__tile_overlayer_lowered;
	s7 =	simm.s32 $_tile_overlayer_lowered  }
0x9c: {  	s22 =	simm.s32 $0x1BFF;
	s21 =	sshll.u32 s7, $0x1;
	s4 =	sadd.s32 s5, s19  }
0x9d: {  	s8 =	simm.s32 $0x0;
	s20 =	sshll.u32 s6, $0x1;
	s6 =	sadd.s32 s21, s4  }
0x9e: {  	[timem:s8], [sflag:s22] =	dma.local [hbm:s6], s20  }
0x9f: {  	_ =	swait.ge [sflag:s22], s20  }
0xa0: {  	s5 =	ssub.s32 $0x0, s20;
	[sflag:s22] =	ssyncset.done $0x0  }
0xa1: {  	[sflag:s22] =	ssyncadd.s32 s5;
	_ =	sdelay $0x1  }
0xa2: {  	s23 =	simm.s32 $0x1B8B  }
0xa3: {  	_ =	swait.ge [sflag:s23], $0x1  }
0xa4: {  	[sflag:s23] =	ssyncset.done $0x0  }
0xa5: {  	s25 =	simm.s32 $0x1B8E;
	s24 =	sld [smem:$0x3FFE];
	[sflag:s23] =	ssyncadd.s32 $0xFFFFFFFF  }
0xa6: {  	s26 =	simm.s32 $execute0_lowered;
	[smem:$0x3FD2] =	sst s25  }
0xa7: {  	s6 =	sshll.u32 s26, $0x1;
	_ =	strace $0x80000046;
	[dreg:$0x1] =	wrdreg $0xFFFFFFFF  }
0xa8: {  	s28 =	simm.s32 $_size_execute0_lowered;
	s4 =	sadd.s32 s4, s6;
	[dreg:$0x0] =	wrdreg $0x0  }
0xa9: {  	s6 =	sshll.u32 s28, $0x1;
	[dreg:$0x2] =	wrdreg s4  }
0xaa: {  	[dreg:$0x3] =	wrdreg s6  }
0xab: {  	[dreg:$0x4] =	wrdreg $0xC0  }
0xac: {  	_ =	task [dreg:s8], $0x5FFFF  }
0xad: {  	[dreg:$0x1] =	wrdreg $0xFFFFFFFF  }
0xae: {  	[dreg:$0x0] =	wrdreg $0x60  }
0xaf: {  	[dreg:$0x2] =	wrdreg s2  }
0xb0: {  	[dreg:$0x3] =	wrdreg s24  }
0xb1: {  	[dreg:$0x4] =	wrdreg s18  }
0xb2: {  	[dreg:$0x5] =	wrdreg $0x9  }
0xb3: {  	_ =	task.clear_ibuf [dreg:s8], $0x6FFFF;
	_ =	strace $0x90000046  }
0xb4: {  	s29 =	simm.s32 $0x9;
	_ =	strace $0x80000048  }
0xb5: {  	_ =	swait.ge [sflag:s29], $0x1  }
0xb6: {  	[sflag:s29] =	ssyncadd.s32 $0xFFFFFFFF  }
0xb7: {  	_ =	strace $0x90000048  }
0xb8: {  	_ =	sfence  }
0xb9: {  	s30 =	sld [smem:$0x0];
	_ =	sdelay $0x2  }
0xba: {  	s31 =	sshll.u32 s1, $0xD;
	s1 =	sshrl.u32 s1, $0x2  }
0xbb: {  	s3 =	sand.u32 $0x4000, s31;
	s1 =	sadd.s32 s1, s30  }
0xbc: {  	s0 =	sor.u32 s3, s0;
	s1 =	sshll.u32 s1, $0x11  }
0xbd: {  	s0 =	sor.u32 s1, s0  }
0xbe: {  	s0 =	sadd.s32 $0x8F2B, s0  }
0xbf: {  	[sflag:s0] =	ssyncadd.remote.s32 $0x1  }
0xc0: {  	_ =	sfence.sel $0xFFFF  }
0xc1: {  	[dreg:$0x0] =	wrdreg $0xFFFFFFFF;
	(pc) =	sbr.abs _section_cstart, $3  }
0xc2: {  	[dreg:$0x1] =	wrdreg $0xFFFFFFFF  }
0xc3: {  	_ =	task.clear_ibuf [dreg:s8], $0x2FFFF;
	_ =	strace $0x9FFFFFFF  }
0xc4: {  	(tm) =	ssettm $0x7FFFFFFF  }
0xc5: {  	_ =	shalt  }
tec
execute0_lowered:
.L_overlay_start_1:
0x0: {  	(tag) =	ssettag $0x1  }
0x1: {  	s1 =	rddreg [dreg:$0x0];
	s2 =	srdreg.scid  }
0x2: {  	s4 =	rddreg [dreg:$0x1];
	s0 =	stileid.u32;
	s9 =	sand.u32 $0x1, s2  }
0x3: {  	s14 =	rddreg [dreg:$0x2];
	s5 =	sshll.u32 s0, $0x4;
	s6 =	sshll.u32 s9, $0x3  }
0x4: {  	s3 =	simm.s32 $0x0;
	s2 =	rddreg [dreg:$0x3];
	s15 =	sor.u32 s6, s5  }
0x5: {  	[smem:$0x7FF] =	sst s3;
	s5 =	sshrl.u32 s15, $0x3  }
0x6: {  	_ =	strace $0x80000047;
	s5 =	sadd.s32 s4, s5;
	s4 =	simm.s32 $0x2  }
0x7: {  	[tilespmem:s3], [sflag:$0x2] =	stream.linear.gather [hbm4b:s5+s3], $0x8, $0x38;
	[tilespmem:$0x2080] =	vst v63  }
0x8: {  	_ =	swait.ge [sflag:s4], $0x8  }
0x9: {  	[sflag:s4] =	ssyncset.done $0x0  }
0xa: {  	[sflag:s4] =	ssyncadd.s32 $0xFFFFFFF8  }
0xb: {  	v0 =	vld.msk [tilespmem:$0x0], $0xff;
	_ =	sdelay $0x4  }
0xc: {  	v1 =	vshll.u32 v0, $0x3  }
0xd: {  	v2 =	vlaneseq.u32;
	v3 =	vand.u32 $0x7, v0;
	v1 =	vand.u32 $0xFFFFFFC0, v1  }
0xe: {  	v0 =	vand.u32 $0x7, v2;
	v2 =	vshrl.u32 v2, $0x3;
	v3 =	vor.u32 v3, v1  }
0xf: {  	v1 =	vmul.u32 $0x8, v2;
	v2 =	vperm.xlane v3, v0;
	_ =	sdelay $0x1  }
0x10: {  	v2 =	vadd.s32 v1, v2;
	_ =	sdelay $0x3  }
0x11: {  	vm0 =	vmmov $0xffff;
	s8 =	simm.s32 $0x880;
	s16 =	ssub.s32 $0x2, s9;
	s6 =	simm.s32 $0x80  }
0x12: {  	[tilespmem:s6], [sflag:$0x1] =	stream.indirect_vreg.gather [hbm4b:s1+s3], $0x80, v2, vm0, $0xb8;
	[tilespmem:$0x2080] =	vst v63  }
0x13: {  	s10 =	simm.s32 $0x1080;
	s7 =	sadd.s32 $0x100, s1;
	s17 =	sshrl.u32 s16, $0x1  }
0x14: {  	[tilespmem:s8], [sflag:$0x1] =	stream.indirect_vreg.gather [hbm4b:s7+s3], $0x80, v2, vm0, $0xb8;
	[tilespmem:$0x2080] =	vst v63  }
0x15: {  	s12 =	simm.s32 $0x1880;
	s9 =	sadd.s32 $0x200, s1;
	s16 =	ssub.s32 s16, s17  }
0x16: {  	[tilespmem:s10], [sflag:$0x1] =	stream.indirect_vreg.gather [hbm4b:s9+s3], $0x80, v2, vm0, $0xb8;
	[tilespmem:$0x2080] =	vst v63  }
0x17: {  	s13 =	simm.s32 $0x1;
	s11 =	sadd.s32 $0x300, s1;
	s31 =	smax.u32 s16, $0x1  }
0x18: {  	[tilespmem:s12], [sflag:$0x1] =	stream.indirect_vreg.gather [hbm4b:s11+s3], $0x80, v2, vm0, $0xb8;
	[tilespmem:$0x2080] =	vst v63  }
0x19: {  	p0 =	sne.s32 s31, $0x1;
	_ =	swait.ge [sflag:s13], $0x2000  }
.Ltmp0:
0x1a: {  	s15 =	sshll.u32 s15, $0x7;
	[sflag:s13] =	ssyncset.done $0x0;
	(pc) =	sbr.rel @!p0 .LBB2_2-.Ltmp0, $4  }
0x1b: {  	s14 =	sadd.s32 s14, s15;
	[sflag:s13] =	ssyncadd.s32 $0xFFFFE000  }
0x1c: {  	[hbm4b:s14+s3] =	stream.linear.scatter [tilespmem:s6], [sflag:$0x2], $0x2000, $0x38;
	[tilespmem:$0x2080] =	vst v63  }
0x1d: {  	_ =	swait.ge [sflag:s4], $0x2000  }
0x1e: {  	s15 =	sadd.s32 $0xFFFFFFFF, s31;
	[sflag:s4] =	ssyncset.done $0x0  }
.LBB2_1:
0x1f: {  	p0 =	sne.s32 s15, $0x1;
	s15 =	sadd.s32 $0xFFFFFFFF, s15;
	[sflag:s4] =	ssyncadd.s32 $0xFFFFE000  }
0x20: {  	[tilespmem:s3], [sflag:$0x2] =	stream.linear.gather [hbm4b:s5+s3], $0x8, $0x38;
	[tilespmem:$0x2080] =	vst v63  }
0x21: {  	_ =	swait.ge [sflag:s4], $0x8  }
0x22: {  	[sflag:s4] =	ssyncset.done $0x0  }
0x23: {  	[sflag:s4] =	ssyncadd.s32 $0xFFFFFFF8  }
0x24: {  	v2 =	vld.msk [tilespmem:$0x0], $0xff;
	_ =	sdelay $0x4  }
0x25: {  	v3 =	vshll.u32 v2, $0x3  }
0x26: {  	v2 =	vand.u32 $0x7, v2;
	v3 =	vand.u32 $0xFFFFFFC0, v3  }
0x27: {  	v2 =	vor.u32 v2, v3  }
0x28: {  	v2 =	vperm.xlane v2, v0;
	_ =	sdelay $0x1  }
0x29: {  	v2 =	vadd.s32 v1, v2;
	_ =	sdelay $0x4  }
0x2a: {  	[tilespmem:s6], [sflag:$0x1] =	stream.indirect_vreg.gather [hbm4b:s1+s3], $0x80, v2, vm0, $0xb8;
	[tilespmem:$0x2080] =	vst v63  }
0x2b: {  	_ = 	snop  }
0x2c: {  	[tilespmem:s8], [sflag:$0x1] =	stream.indirect_vreg.gather [hbm4b:s7+s3], $0x80, v2, vm0, $0xb8;
	[tilespmem:$0x2080] =	vst v63  }
0x2d: {  	_ = 	snop  }
0x2e: {  	[tilespmem:s10], [sflag:$0x1] =	stream.indirect_vreg.gather [hbm4b:s9+s3], $0x80, v2, vm0, $0xb8;
	[tilespmem:$0x2080] =	vst v63  }
0x2f: {  	_ = 	snop  }
0x30: {  	[tilespmem:s12], [sflag:$0x1] =	stream.indirect_vreg.gather [hbm4b:s11+s3], $0x80, v2, vm0, $0xb8;
	[tilespmem:$0x2080] =	vst v63  }
0x31: {  	_ =	swait.ge [sflag:s13], $0x2000  }
.Ltmp1:
0x32: {  	[sflag:s13] =	ssyncset.done $0x0;
	(pc) =	sbr.rel @p0 .LBB2_1-.Ltmp1, $4  }
0x33: {  	[sflag:s13] =	ssyncadd.s32 $0xFFFFE000  }
0x34: {  	[hbm4b:s14+s3] =	stream.linear.scatter [tilespmem:s6], [sflag:$0x2], $0x2000, $0x38;
	[tilespmem:$0x2080] =	vst v63  }
0x35: {  	_ =	swait.ge [sflag:s4], $0x2000  }
0x36: {  	[sflag:s4] =	ssyncset.done $0x0  }
.LBB2_2:
0x37: {  	[sflag:s4] =	ssyncadd.s32 $0xFFFFE000  }
0x38: {  	_ =	sfence.sel $0x180000  }
0x39: {  	[bflag:$0x0] =	sbarrier.arrive $0xFFFF  }
0x3a: {  	p0 =	sne.s32 s0, $0x0;
	_ =	strace $0x90000047  }
0x3b: {  	s0 =	sadd.s32 @!p0 $0x100000, s2;
	[bflag:$0x2] =	sbarrier.arrive $0xFFFF  }
0x3c: {  	[sflag:s0] =	ssyncadd.tile.s32 @!p0 $0x1;
	_ =	shalt  }
.Lfunc_end2:
_tile_overlayer_lowered:
.L_overlay_start_2:
0x3d: {  	(tag) =	ssettag $0x2  }
0x3e: {  	s0 =	rddreg [dreg:$0x0];
	s2 =	stileid.u32  }
0x3f: {  	s1 =	rddreg [dreg:$0x1];
	p0 =	sne.s32 s2, $0x0  }
0x40: {  	s3 =	rddreg [dreg:$0x2];
	[bflag:$0x3] =	sbarrier.arrive $0xFFFF;
	s2 =	simm.s32 @!p0 $0x1C02  }
0x41: {  	[timem:s3], [sflag:s2] =	dma.local @!p0 [hbm:s0], s1  }
0x42: {  	s0 =	simm.s32 @!p0 $0x2  }
0x43: {  	_ =	swait.ge @!p0 [sflag:s0], s1  }
0x44: {  	s1 =	ssub.s32 @!p0 $0x0, s1;
	[sflag:s0] =	ssyncset.done @!p0 $0x0  }
0x45: {  	[sflag:s0] =	ssyncadd.s32 @!p0 s1  }
0x46: {  	[bflag:$0x3] =	sbarrier.arrive $0xFFFF  }
0x47: {  	_ =	shalt  }

</sc_bundles>
